<compile_context>
chip_gen: v7x
topology: tpu7x:2x2x1
jax: 0.10.2.dev20260603
libtpu: 0.0.44.dev20260713+nightly
codegen_flags: <defaults>
</compile_context>

<pallas_src>
import functools

import jax
import jax.numpy as jnp
from jax import lax
from jax.experimental import pallas as pl
from jax.experimental.pallas import tpu as pltpu
from jax.experimental.pallas import tpu_sc as plsc

EMBED = 128
CHUNK = 128
NBUF = 5
PF = 2


@functools.lru_cache(maxsize=None)
def _make_gather(n_rows):
    info = plsc.get_sparse_core_info()
    nw = info.num_cores * info.num_subcores
    rows_per_w = n_rows // nw
    nchunks = rows_per_w // CHUNK
    assert nchunks * CHUNK * nw == n_rows
    assert nchunks % NBUF == 0
    idx_rows_pad = (nchunks + 7) // 8 * 8

    mesh = plsc.VectorSubcoreMesh(core_axis_name="c", subcore_axis_name="s")

    @functools.partial(
        pl.kernel,
        out_type=jax.ShapeDtypeStruct((n_rows, EMBED), jnp.float32),
        mesh=mesh,
        compiler_params=pltpu.CompilerParams(use_tc_tiling_on_sc=True),
        scratch_types=[
            pltpu.VMEM((idx_rows_pad, CHUNK), jnp.int32),
            [pltpu.VMEM((CHUNK, EMBED), jnp.float32)] * NBUF,
            [pltpu.SemaphoreType.DMA] * NBUF,
            [pltpu.SemaphoreType.DMA] * NBUF,
        ],
    )
    def gather_kernel(idx_hbm, table_hbm, out_hbm, idx_v, rows, gsem, ssem):
        wid = lax.axis_index("s") * info.num_cores + lax.axis_index("c")
        pltpu.sync_copy(idx_hbm.at[pl.ds(wid * idx_rows_pad, idx_rows_pad)], idx_v)
        base = wid * rows_per_w

        def gather(j, b):
            return pltpu.async_copy(table_hbm.at[idx_v.at[j]], rows[b], gsem[b])

        def gather_wait(j, b):
            pltpu.make_async_copy(table_hbm.at[idx_v.at[j]], rows[b], gsem[b]).wait()

        def store(j, b):
            dst = out_hbm.at[pl.ds(base + j * CHUNK, CHUNK)]
            return pltpu.async_copy(rows[b], dst, ssem[b])

        def store_wait(b):
            dst = out_hbm.at[pl.ds(base, CHUNK)]
            pltpu.make_async_copy(rows[b], dst, ssem[b]).wait()

        for b in range(PF):
            gather(b, b)

        @pl.loop(0, nchunks // NBUF)
        def _(g):
            j0 = g * NBUF
            for b in range(NBUF):
                j = j0 + b
                jf = j + PF
                bf = (b + PF) % NBUF

                @pl.when(jf >= NBUF)
                def _():
                    store_wait(bf)

                @pl.when(jf < nchunks)
                def _():
                    gather(jf, bf)

                gather_wait(j, b)
                store(j, b)

        for j in range(nchunks - (NBUF - PF), nchunks):
            store_wait(j % NBUF)

    return gather_kernel


def kernel(input, embedding):
    b, s = input.shape
    n_rows = b * s
    info = plsc.get_sparse_core_info()
    nw = info.num_cores * info.num_subcores
    nchunks = n_rows // nw // CHUNK
    pad = (nchunks + 7) // 8 * 8 - nchunks
    idx = jnp.transpose(input).astype(jnp.int32).reshape(nw, nchunks, CHUNK)
    idx = jnp.pad(idx, ((0, 0), (0, pad), (0, 0))).reshape(-1, CHUNK)
    out = _make_gather(n_rows)(idx, embedding)
    return out.reshape(s, b, EMBED).transpose(1, 0, 2)

# --- scband reference (transcript-rebuilt; emitter-appended) ---
"""Pipeline reference for scband-embedding-77025943486656 (READ-ONLY COPY).

The authoritative reference and input builder live on the scoring server;
editing this copy changes nothing except your own understanding.
"""

import jax, jax.numpy as jnp
import numpy as np

VOCAB_SIZE = 100000
EMBED_SIZE = 128

def setup_inputs(seed: int = 0) -> dict:
    key = jax.random.key(seed)
    k_idx, k_emb = jax.random.split(key, 2)
    input = jax.random.randint(k_idx, (4096, 50), 0, VOCAB_SIZE, dtype=jnp.int64 if jax.config.jax_enable_x64 else jnp.int32)
    embedding = jax.random.normal(k_emb, (VOCAB_SIZE, EMBED_SIZE), dtype=jnp.float32)
    return {"input": input, "embedding": embedding}

def reference(input, embedding):
    # Faithful translation of: return self.embedding[input]
    return jnp.take(embedding, input, axis=0)

if __name__ == "__main__":
    import jax
    _d = setup_inputs()
    print(jax.jit(kernel)(*tuple(_d.values())))

</pallas_src>

<mosaic_0001>
#map = affine_map<(d0, d1) -> (0, 0)>
module attributes {stable_mosaic.version = 14 : i64} {
  func.func @gather_kernel(%arg0: i32, %arg1: i32, %arg2: memref<1792x128xi32, #tpu.memory_space<hbm>>, %arg3: memref<100000x128xf32, #tpu.memory_space<hbm>>, %arg4: memref<204800x128xf32, #tpu.memory_space<hbm>>, %arg5: memref<56x128xi32, #tpu.memory_space<vmem>>, %arg6: memref<128x128xf32, #tpu.memory_space<vmem>>, %arg7: memref<128x128xf32, #tpu.memory_space<vmem>>, %arg8: memref<128x128xf32, #tpu.memory_space<vmem>>, %arg9: memref<128x128xf32, #tpu.memory_space<vmem>>, %arg10: memref<128x128xf32, #tpu.memory_space<vmem>>, %arg11: memref<!tpu.dma_semaphore, #tpu.memory_space<semaphore_mem>>, %arg12: memref<!tpu.dma_semaphore, #tpu.memory_space<semaphore_mem>>, %arg13: memref<!tpu.dma_semaphore, #tpu.memory_space<semaphore_mem>>, %arg14: memref<!tpu.dma_semaphore, #tpu.memory_space<semaphore_mem>>, %arg15: memref<!tpu.dma_semaphore, #tpu.memory_space<semaphore_mem>>, %arg16: memref<!tpu.dma_semaphore, #tpu.memory_space<semaphore_mem>>, %arg17: memref<!tpu.dma_semaphore, #tpu.memory_space<semaphore_mem>>, %arg18: memref<!tpu.dma_semaphore, #tpu.memory_space<semaphore_mem>>, %arg19: memref<!tpu.dma_semaphore, #tpu.memory_space<semaphore_mem>>, %arg20: memref<!tpu.dma_semaphore, #tpu.memory_space<semaphore_mem>>) attributes {dimension_semantics = [#tpu.dimension_semantics<core_parallel>, #tpu.dimension_semantics<subcore_parallel>], iteration_bounds = array<i64: 2, 16>, scalar_prefetch = 0 : i64, scratch_operands = 16 : i64, tpu.core_type = #tpu.core_type<sc_vector_subcore>, window_params = [{transform_indices = #map}, {transform_indices = #map}, {transform_indices = #map}]} {
    %mul3A = arith.constant 2 : i32
    %mul3A_0 = arith.muli %arg1, %mul3A : i32
    %add3A = arith.addi %mul3A_0, %arg0 : i32
    %mul3A_1 = arith.constant 56 : i32
    %mul3A_2 = arith.muli %add3A, %mul3A_1 : i32
    "tpu.region"() ({
      %run_scoped3A = tpu.sem_alloc : memref<!tpu.dma_semaphore, #tpu.memory_space<semaphore_mem>>
      %dma_start3A_33 = arith.constant 0 : i32
      %dma_start3A_34 = tpu.memref_slice %arg2[%mul3A_2, %dma_start3A_33] : memref<1792x128xi32, #tpu.memory_space<hbm>> -> memref<56x128xi32, #tpu.memory_space<hbm>>
      %dma_start3A_35 = arith.constant 0 : i32
      %dma_start3A_36 = tpu.memref_slice %arg2[%mul3A_2, %dma_start3A_35] : memref<1792x128xi32, #tpu.memory_space<hbm>> -> memref<56x128xi32, #tpu.memory_space<hbm>>
      tpu.enqueue_dma source(%dma_start3A_36 : memref<56x128xi32, #tpu.memory_space<hbm>>) target(%arg5 : memref<56x128xi32, #tpu.memory_space<vmem>>) target_semaphore(%run_scoped3A : memref<!tpu.dma_semaphore, #tpu.memory_space<semaphore_mem>>)
      %dma_wait3A_37 = arith.constant 0 : i32
      %dma_wait3A_38 = tpu.memref_slice %arg2[%mul3A_2, %dma_wait3A_37] : memref<1792x128xi32, #tpu.memory_space<hbm>> -> memref<56x128xi32, #tpu.memory_space<hbm>>
      %dma_wait3A_39 = arith.constant 0 : i32
      %dma_wait3A_40 = tpu.memref_slice %arg2[%mul3A_2, %dma_wait3A_39] : memref<1792x128xi32, #tpu.memory_space<hbm>> -> memref<56x128xi32, #tpu.memory_space<hbm>>
      tpu.wait_dma2 semaphore(%run_scoped3A : memref<!tpu.dma_semaphore, #tpu.memory_space<semaphore_mem>>) src(%dma_wait3A_40 : memref<56x128xi32, #tpu.memory_space<hbm>>) dst(%arg5 : memref<56x128xi32, #tpu.memory_space<vmem>>)
      tpu.yield
    }) : () -> ()
    %mul3A_3 = arith.constant 6400 : i32
    %mul3A_4 = arith.muli %add3A, %mul3A_3 : i32
    %dma_start3A = arith.constant 0 : i32
    %dma_start3A_5 = arith.constant 0 : i32
    %dma_start3A_6 = tpu.memref_slice %arg5[%dma_start3A, %dma_start3A_5] : memref<56x128xi32, #tpu.memory_space<vmem>> -> memref<1x128xi32, #tpu.memory_space<vmem>>
    %dma_start3A_7 = tpu.memref_squeeze %dma_start3A_6 : memref<1x128xi32, #tpu.memory_space<vmem>> -> memref<128xi32, #tpu.memory_space<vmem>>
    %dma_start3A_8 = arith.constant 0 : i32
    %dma_start3A_9 = arith.constant 0 : i32
    %dma_start3A_10 = tpu.memref_slice %arg3[%dma_start3A_8, %dma_start3A_9] : memref<100000x128xf32, #tpu.memory_space<hbm>> -> memref<100000x128xf32, #tpu.memory_space<hbm>>
    tpu.enqueue_indirect_dma source(%dma_start3A_10 : memref<100000x128xf32, #tpu.memory_space<hbm>>) target(%arg6 : memref<128x128xf32, #tpu.memory_space<vmem>>) offsets(%dma_start3A_7 : memref<128xi32, #tpu.memory_space<vmem>>) semaphore(%arg11 : memref<!tpu.dma_semaphore, #tpu.memory_space<semaphore_mem>>)
    %dma_start3A_11 = arith.constant 1 : i32
    %dma_start3A_12 = arith.constant 0 : i32
    %dma_start3A_13 = tpu.memref_slice %arg5[%dma_start3A_11, %dma_start3A_12] : memref<56x128xi32, #tpu.memory_space<vmem>> -> memref<1x128xi32, #tpu.memory_space<vmem>>
    %dma_start3A_14 = tpu.memref_squeeze %dma_start3A_13 : memref<1x128xi32, #tpu.memory_space<vmem>> -> memref<128xi32, #tpu.memory_space<vmem>>
    %dma_start3A_15 = arith.constant 0 : i32
    %dma_start3A_16 = arith.constant 0 : i32
    %dma_start3A_17 = tpu.memref_slice %arg3[%dma_start3A_15, %dma_start3A_16] : memref<100000x128xf32, #tpu.memory_space<hbm>> -> memref<100000x128xf32, #tpu.memory_space<hbm>>
    tpu.enqueue_indirect_dma source(%dma_start3A_17 : memref<100000x128xf32, #tpu.memory_space<hbm>>) target(%arg7 : memref<128x128xf32, #tpu.memory_space<vmem>>) offsets(%dma_start3A_14 : memref<128xi32, #tpu.memory_space<vmem>>) semaphore(%arg12 : memref<!tpu.dma_semaphore, #tpu.memory_space<semaphore_mem>>)
    %scan3A = arith.constant 0 : i32
    %scan3A_18 = arith.constant 10 : i32
    %scan3A_19 = arith.addi %scan3A, %scan3A_18 : i32
    %scan3A_20 = arith.constant 1 : i32
    scf.for %scan3A_33 = %scan3A to %scan3A_19 step %scan3A_20  : i32 {
      %mul3A_34 = arith.constant 1 : i32
      %mul3A_35 = arith.muli %scan3A_33, %mul3A_34 : i32
      %add3A_36 = arith.constant 0 : i32
      %add3A_37 = arith.addi %add3A_36, %mul3A_35 : i32
      %mul3A_38 = arith.constant 5 : i32
      %mul3A_39 = arith.muli %add3A_37, %mul3A_38 : i32
      %add3A_40 = arith.constant 0 : i32
      %add3A_41 = arith.addi %mul3A_39, %add3A_40 : i32
      %add3A_42 = arith.constant 2 : i32
      %add3A_43 = arith.addi %add3A_41, %add3A_42 : i32
      %ge3A = arith.constant 5 : i32
      %ge3A_44 = arith.cmpi sge, %add3A_43, %ge3A : i32
      %convert_element_type3A = arith.extui %ge3A_44 : i1 to i32
      %cond3A = arith.constant 0 : i32
      %cond3A_45 = arith.cmpi ne, %convert_element_type3A, %cond3A : i32
      scf.if %cond3A_45 {
        %dma_wait3A_171 = arith.constant 0 : i32
        %dma_wait3A_172 = tpu.memref_slice %arg4[%mul3A_4, %dma_wait3A_171] : memref<204800x128xf32, #tpu.memory_space<hbm>> -> memref<128x128xf32, #tpu.memory_space<hbm>>
        %dma_wait3A_173 = arith.constant 0 : i32
        %dma_wait3A_174 = tpu.memref_slice %arg4[%mul3A_4, %dma_wait3A_173] : memref<204800x128xf32, #tpu.memory_space<hbm>> -> memref<128x128xf32, #tpu.memory_space<hbm>>
        tpu.wait_dma2 semaphore(%arg18 : memref<!tpu.dma_semaphore, #tpu.memory_space<semaphore_mem>>) src(%arg8 : memref<128x128xf32, #tpu.memory_space<vmem>>) dst(%dma_wait3A_174 : memref<128x128xf32, #tpu.memory_space<hbm>>)
      } else {
      }
      %lt3A = arith.constant 50 : i32
      %lt3A_46 = arith.cmpi slt, %add3A_43, %lt3A : i32
      %convert_element_type3A_47 = arith.extui %lt3A_46 : i1 to i32
      %cond3A_48 = arith.constant 0 : i32
      %cond3A_49 = arith.cmpi ne, %convert_element_type3A_47, %cond3A_48 : i32
      scf.if %cond3A_49 {
        %dma_start3A_171 = arith.constant 0 : i32
        %dma_start3A_172 = tpu.memref_slice %arg5[%add3A_43, %dma_start3A_171] : memref<56x128xi32, #tpu.memory_space<vmem>> -> memref<1x128xi32, #tpu.memory_space<vmem>>
        %dma_start3A_173 = tpu.memref_squeeze %dma_start3A_172 : memref<1x128xi32, #tpu.memory_space<vmem>> -> memref<128xi32, #tpu.memory_space<vmem>>
        %dma_start3A_174 = arith.constant 0 : i32
        %dma_start3A_175 = arith.constant 0 : i32
        %dma_start3A_176 = tpu.memref_slice %arg3[%dma_start3A_174, %dma_start3A_175] : memref<100000x128xf32, #tpu.memory_space<hbm>> -> memref<100000x128xf32, #tpu.memory_space<hbm>>
        tpu.enqueue_indirect_dma source(%dma_start3A_176 : memref<100000x128xf32, #tpu.memory_space<hbm>>) target(%arg8 : memref<128x128xf32, #tpu.memory_space<vmem>>) offsets(%dma_start3A_173 : memref<128xi32, #tpu.memory_space<vmem>>) semaphore(%arg13 : memref<!tpu.dma_semaphore, #tpu.memory_space<semaphore_mem>>)
      } else {
      }
      %dma_wait3A_50 = arith.constant 0 : i32
      %dma_wait3A_51 = tpu.memref_slice %arg5[%add3A_41, %dma_wait3A_50] : memref<56x128xi32, #tpu.memory_space<vmem>> -> memref<1x128xi32, #tpu.memory_space<vmem>>
      %dma_wait3A_52 = tpu.memref_squeeze %dma_wait3A_51 : memref<1x128xi32, #tpu.memory_space<vmem>> -> memref<128xi32, #tpu.memory_space<vmem>>
      %dma_wait3A_53 = arith.constant 0 : i32
      %dma_wait3A_54 = arith.constant 0 : i32
      %dma_wait3A_55 = tpu.memref_slice %arg3[%dma_wait3A_53, %dma_wait3A_54] : memref<100000x128xf32, #tpu.memory_space<hbm>> -> memref<100000x128xf32, #tpu.memory_space<hbm>>
      tpu.wait_indirect_dma semaphore(%arg11 : memref<!tpu.dma_semaphore, #tpu.memory_space<semaphore_mem>>) src(%dma_wait3A_55 : memref<100000x128xf32, #tpu.memory_space<hbm>>) dst(%arg6 : memref<128x128xf32, #tpu.memory_space<vmem>>)
      %mul3A_56 = arith.constant 128 : i32
      %mul3A_57 = arith.muli %add3A_41, %mul3A_56 : i32
      %add3A_58 = arith.addi %mul3A_4, %mul3A_57 : i32
      %dma_start3A_59 = arith.constant 0 : i32
      %dma_start3A_60 = tpu.memref_slice %arg4[%add3A_58, %dma_start3A_59] : memref<204800x128xf32, #tpu.memory_space<hbm>> -> memref<128x128xf32, #tpu.memory_space<hbm>>
      %dma_start3A_61 = arith.constant 0 : i32
      %dma_start3A_62 = tpu.memref_slice %arg4[%add3A_58, %dma_start3A_61] : memref<204800x128xf32, #tpu.memory_space<hbm>> -> memref<128x128xf32, #tpu.memory_space<hbm>>
      tpu.enqueue_dma source(%arg6 : memref<128x128xf32, #tpu.memory_space<vmem>>) target(%dma_start3A_62 : memref<128x128xf32, #tpu.memory_space<hbm>>) target_semaphore(%arg16 : memref<!tpu.dma_semaphore, #tpu.memory_space<semaphore_mem>>)
      %add3A_63 = arith.constant 1 : i32
      %add3A_64 = arith.addi %mul3A_39, %add3A_63 : i32
      %add3A_65 = arith.constant 2 : i32
      %add3A_66 = arith.addi %add3A_64, %add3A_65 : i32
      %ge3A_67 = arith.constant 5 : i32
      %ge3A_68 = arith.cmpi sge, %add3A_66, %ge3A_67 : i32
      %convert_element_type3A_69 = arith.extui %ge3A_68 : i1 to i32
      %cond3A_70 = arith.constant 0 : i32
      %cond3A_71 = arith.cmpi ne, %convert_element_type3A_69, %cond3A_70 : i32
      scf.if %cond3A_71 {
        %dma_wait3A_171 = arith.constant 0 : i32
        %dma_wait3A_172 = tpu.memref_slice %arg4[%mul3A_4, %dma_wait3A_171] : memref<204800x128xf32, #tpu.memory_space<hbm>> -> memref<128x128xf32, #tpu.memory_space<hbm>>
        %dma_wait3A_173 = arith.constant 0 : i32
        %dma_wait3A_174 = tpu.memref_slice %arg4[%mul3A_4, %dma_wait3A_173] : memref<204800x128xf32, #tpu.memory_space<hbm>> -> memref<128x128xf32, #tpu.memory_space<hbm>>
        tpu.wait_dma2 semaphore(%arg19 : memref<!tpu.dma_semaphore, #tpu.memory_space<semaphore_mem>>) src(%arg9 : memref<128x128xf32, #tpu.memory_space<vmem>>) dst(%dma_wait3A_174 : memref<128x128xf32, #tpu.memory_space<hbm>>)
      } else {
      }
      %lt3A_72 = arith.constant 50 : i32
      %lt3A_73 = arith.cmpi slt, %add3A_66, %lt3A_72 : i32
      %convert_element_type3A_74 = arith.extui %lt3A_73 : i1 to i32
      %cond3A_75 = arith.constant 0 : i32
      %cond3A_76 = arith.cmpi ne, %convert_element_type3A_74, %cond3A_75 : i32
      scf.if %cond3A_76 {
        %dma_start3A_171 = arith.constant 0 : i32
        %dma_start3A_172 = tpu.memref_slice %arg5[%add3A_66, %dma_start3A_171] : memref<56x128xi32, #tpu.memory_space<vmem>> -> memref<1x128xi32, #tpu.memory_space<vmem>>
        %dma_start3A_173 = tpu.memref_squeeze %dma_start3A_172 : memref<1x128xi32, #tpu.memory_space<vmem>> -> memref<128xi32, #tpu.memory_space<vmem>>
        %dma_start3A_174 = arith.constant 0 : i32
        %dma_start3A_175 = arith.constant 0 : i32
        %dma_start3A_176 = tpu.memref_slice %arg3[%dma_start3A_174, %dma_start3A_175] : memref<100000x128xf32, #tpu.memory_space<hbm>> -> memref<100000x128xf32, #tpu.memory_space<hbm>>
        tpu.enqueue_indirect_dma source(%dma_start3A_176 : memref<100000x128xf32, #tpu.memory_space<hbm>>) target(%arg9 : memref<128x128xf32, #tpu.memory_space<vmem>>) offsets(%dma_start3A_173 : memref<128xi32, #tpu.memory_space<vmem>>) semaphore(%arg14 : memref<!tpu.dma_semaphore, #tpu.memory_space<semaphore_mem>>)
      } else {
      }
      %dma_wait3A_77 = arith.constant 0 : i32
      %dma_wait3A_78 = tpu.memref_slice %arg5[%add3A_64, %dma_wait3A_77] : memref<56x128xi32, #tpu.memory_space<vmem>> -> memref<1x128xi32, #tpu.memory_space<vmem>>
      %dma_wait3A_79 = tpu.memref_squeeze %dma_wait3A_78 : memref<1x128xi32, #tpu.memory_space<vmem>> -> memref<128xi32, #tpu.memory_space<vmem>>
      %dma_wait3A_80 = arith.constant 0 : i32
      %dma_wait3A_81 = arith.constant 0 : i32
      %dma_wait3A_82 = tpu.memref_slice %arg3[%dma_wait3A_80, %dma_wait3A_81] : memref<100000x128xf32, #tpu.memory_space<hbm>> -> memref<100000x128xf32, #tpu.memory_space<hbm>>
      tpu.wait_indirect_dma semaphore(%arg12 : memref<!tpu.dma_semaphore, #tpu.memory_space<semaphore_mem>>) src(%dma_wait3A_82 : memref<100000x128xf32, #tpu.memory_space<hbm>>) dst(%arg7 : memref<128x128xf32, #tpu.memory_space<vmem>>)
      %mul3A_83 = arith.constant 128 : i32
      %mul3A_84 = arith.muli %add3A_64, %mul3A_83 : i32
      %add3A_85 = arith.addi %mul3A_4, %mul3A_84 : i32
      %dma_start3A_86 = arith.constant 0 : i32
      %dma_start3A_87 = tpu.memref_slice %arg4[%add3A_85, %dma_start3A_86] : memref<204800x128xf32, #tpu.memory_space<hbm>> -> memref<128x128xf32, #tpu.memory_space<hbm>>
      %dma_start3A_88 = arith.constant 0 : i32
      %dma_start3A_89 = tpu.memref_slice %arg4[%add3A_85, %dma_start3A_88] : memref<204800x128xf32, #tpu.memory_space<hbm>> -> memref<128x128xf32, #tpu.memory_space<hbm>>
      tpu.enqueue_dma source(%arg7 : memref<128x128xf32, #tpu.memory_space<vmem>>) target(%dma_start3A_89 : memref<128x128xf32, #tpu.memory_space<hbm>>) target_semaphore(%arg17 : memref<!tpu.dma_semaphore, #tpu.memory_space<semaphore_mem>>)
      %add3A_90 = arith.constant 2 : i32
      %add3A_91 = arith.addi %mul3A_39, %add3A_90 : i32
      %add3A_92 = arith.constant 2 : i32
      %add3A_93 = arith.addi %add3A_91, %add3A_92 : i32
      %ge3A_94 = arith.constant 5 : i32
      %ge3A_95 = arith.cmpi sge, %add3A_93, %ge3A_94 : i32
      %convert_element_type3A_96 = arith.extui %ge3A_95 : i1 to i32
      %cond3A_97 = arith.constant 0 : i32
      %cond3A_98 = arith.cmpi ne, %convert_element_type3A_96, %cond3A_97 : i32
      scf.if %cond3A_98 {
        %dma_wait3A_171 = arith.constant 0 : i32
        %dma_wait3A_172 = tpu.memref_slice %arg4[%mul3A_4, %dma_wait3A_171] : memref<204800x128xf32, #tpu.memory_space<hbm>> -> memref<128x128xf32, #tpu.memory_space<hbm>>
        %dma_wait3A_173 = arith.constant 0 : i32
        %dma_wait3A_174 = tpu.memref_slice %arg4[%mul3A_4, %dma_wait3A_173] : memref<204800x128xf32, #tpu.memory_space<hbm>> -> memref<128x128xf32, #tpu.memory_space<hbm>>
        tpu.wait_dma2 semaphore(%arg20 : memref<!tpu.dma_semaphore, #tpu.memory_space<semaphore_mem>>) src(%arg10 : memref<128x128xf32, #tpu.memory_space<vmem>>) dst(%dma_wait3A_174 : memref<128x128xf32, #tpu.memory_space<hbm>>)
      } else {
      }
      %lt3A_99 = arith.constant 50 : i32
      %lt3A_100 = arith.cmpi slt, %add3A_93, %lt3A_99 : i32
      %convert_element_type3A_101 = arith.extui %lt3A_100 : i1 to i32
      %cond3A_102 = arith.constant 0 : i32
      %cond3A_103 = arith.cmpi ne, %convert_element_type3A_101, %cond3A_102 : i32
      scf.if %cond3A_103 {
        %dma_start3A_171 = arith.constant 0 : i32
        %dma_start3A_172 = tpu.memref_slice %arg5[%add3A_93, %dma_start3A_171] : memref<56x128xi32, #tpu.memory_space<vmem>> -> memref<1x128xi32, #tpu.memory_space<vmem>>
        %dma_start3A_173 = tpu.memref_squeeze %dma_start3A_172 : memref<1x128xi32, #tpu.memory_space<vmem>> -> memref<128xi32, #tpu.memory_space<vmem>>
        %dma_start3A_174 = arith.constant 0 : i32
        %dma_start3A_175 = arith.constant 0 : i32
        %dma_start3A_176 = tpu.memref_slice %arg3[%dma_start3A_174, %dma_start3A_175] : memref<100000x128xf32, #tpu.memory_space<hbm>> -> memref<100000x128xf32, #tpu.memory_space<hbm>>
        tpu.enqueue_indirect_dma source(%dma_start3A_176 : memref<100000x128xf32, #tpu.memory_space<hbm>>) target(%arg10 : memref<128x128xf32, #tpu.memory_space<vmem>>) offsets(%dma_start3A_173 : memref<128xi32, #tpu.memory_space<vmem>>) semaphore(%arg15 : memref<!tpu.dma_semaphore, #tpu.memory_space<semaphore_mem>>)
      } else {
      }
      %dma_wait3A_104 = arith.constant 0 : i32
      %dma_wait3A_105 = tpu.memref_slice %arg5[%add3A_91, %dma_wait3A_104] : memref<56x128xi32, #tpu.memory_space<vmem>> -> memref<1x128xi32, #tpu.memory_space<vmem>>
      %dma_wait3A_106 = tpu.memref_squeeze %dma_wait3A_105 : memref<1x128xi32, #tpu.memory_space<vmem>> -> memref<128xi32, #tpu.memory_space<vmem>>
      %dma_wait3A_107 = arith.constant 0 : i32
      %dma_wait3A_108 = arith.constant 0 : i32
      %dma_wait3A_109 = tpu.memref_slice %arg3[%dma_wait3A_107, %dma_wait3A_108] : memref<100000x128xf32, #tpu.memory_space<hbm>> -> memref<100000x128xf32, #tpu.memory_space<hbm>>
      tpu.wait_indirect_dma semaphore(%arg13 : memref<!tpu.dma_semaphore, #tpu.memory_space<semaphore_mem>>) src(%dma_wait3A_109 : memref<100000x128xf32, #tpu.memory_space<hbm>>) dst(%arg8 : memref<128x128xf32, #tpu.memory_space<vmem>>)
      %mul3A_110 = arith.constant 128 : i32
      %mul3A_111 = arith.muli %add3A_91, %mul3A_110 : i32
      %add3A_112 = arith.addi %mul3A_4, %mul3A_111 : i32
      %dma_start3A_113 = arith.constant 0 : i32
      %dma_start3A_114 = tpu.memref_slice %arg4[%add3A_112, %dma_start3A_113] : memref<204800x128xf32, #tpu.memory_space<hbm>> -> memref<128x128xf32, #tpu.memory_space<hbm>>
      %dma_start3A_115 = arith.constant 0 : i32
      %dma_start3A_116 = tpu.memref_slice %arg4[%add3A_112, %dma_start3A_115] : memref<204800x128xf32, #tpu.memory_space<hbm>> -> memref<128x128xf32, #tpu.memory_space<hbm>>
      tpu.enqueue_dma source(%arg8 : memref<128x128xf32, #tpu.memory_space<vmem>>) target(%dma_start3A_116 : memref<128x128xf32, #tpu.memory_space<hbm>>) target_semaphore(%arg18 : memref<!tpu.dma_semaphore, #tpu.memory_space<semaphore_mem>>)
      %add3A_117 = arith.constant 3 : i32
      %add3A_118 = arith.addi %mul3A_39, %add3A_117 : i32
      %add3A_119 = arith.constant 2 : i32
      %add3A_120 = arith.addi %add3A_118, %add3A_119 : i32
      %ge3A_121 = arith.constant 5 : i32
      %ge3A_122 = arith.cmpi sge, %add3A_120, %ge3A_121 : i32
      %convert_element_type3A_123 = arith.extui %ge3A_122 : i1 to i32
      %cond3A_124 = arith.constant 0 : i32
      %cond3A_125 = arith.cmpi ne, %convert_element_type3A_123, %cond3A_124 : i32
      scf.if %cond3A_125 {
        %dma_wait3A_171 = arith.constant 0 : i32
        %dma_wait3A_172 = tpu.memref_slice %arg4[%mul3A_4, %dma_wait3A_171] : memref<204800x128xf32, #tpu.memory_space<hbm>> -> memref<128x128xf32, #tpu.memory_space<hbm>>
        %dma_wait3A_173 = arith.constant 0 : i32
        %dma_wait3A_174 = tpu.memref_slice %arg4[%mul3A_4, %dma_wait3A_173] : memref<204800x128xf32, #tpu.memory_space<hbm>> -> memref<128x128xf32, #tpu.memory_space<hbm>>
        tpu.wait_dma2 semaphore(%arg16 : memref<!tpu.dma_semaphore, #tpu.memory_space<semaphore_mem>>) src(%arg6 : memref<128x128xf32, #tpu.memory_space<vmem>>) dst(%dma_wait3A_174 : memref<128x128xf32, #tpu.memory_space<hbm>>)
      } else {
      }
      %lt3A_126 = arith.constant 50 : i32
      %lt3A_127 = arith.cmpi slt, %add3A_120, %lt3A_126 : i32
      %convert_element_type3A_128 = arith.extui %lt3A_127 : i1 to i32
      %cond3A_129 = arith.constant 0 : i32
      %cond3A_130 = arith.cmpi ne, %convert_element_type3A_128, %cond3A_129 : i32
      scf.if %cond3A_130 {
        %dma_start3A_171 = arith.constant 0 : i32
        %dma_start3A_172 = tpu.memref_slice %arg5[%add3A_120, %dma_start3A_171] : memref<56x128xi32, #tpu.memory_space<vmem>> -> memref<1x128xi32, #tpu.memory_space<vmem>>
        %dma_start3A_173 = tpu.memref_squeeze %dma_start3A_172 : memref<1x128xi32, #tpu.memory_space<vmem>> -> memref<128xi32, #tpu.memory_space<vmem>>
        %dma_start3A_174 = arith.constant 0 : i32
        %dma_start3A_175 = arith.constant 0 : i32
        %dma_start3A_176 = tpu.memref_slice %arg3[%dma_start3A_174, %dma_start3A_175] : memref<100000x128xf32, #tpu.memory_space<hbm>> -> memref<100000x128xf32, #tpu.memory_space<hbm>>
        tpu.enqueue_indirect_dma source(%dma_start3A_176 : memref<100000x128xf32, #tpu.memory_space<hbm>>) target(%arg6 : memref<128x128xf32, #tpu.memory_space<vmem>>) offsets(%dma_start3A_173 : memref<128xi32, #tpu.memory_space<vmem>>) semaphore(%arg11 : memref<!tpu.dma_semaphore, #tpu.memory_space<semaphore_mem>>)
      } else {
      }
      %dma_wait3A_131 = arith.constant 0 : i32
      %dma_wait3A_132 = tpu.memref_slice %arg5[%add3A_118, %dma_wait3A_131] : memref<56x128xi32, #tpu.memory_space<vmem>> -> memref<1x128xi32, #tpu.memory_space<vmem>>
      %dma_wait3A_133 = tpu.memref_squeeze %dma_wait3A_132 : memref<1x128xi32, #tpu.memory_space<vmem>> -> memref<128xi32, #tpu.memory_space<vmem>>
      %dma_wait3A_134 = arith.constant 0 : i32
      %dma_wait3A_135 = arith.constant 0 : i32
      %dma_wait3A_136 = tpu.memref_slice %arg3[%dma_wait3A_134, %dma_wait3A_135] : memref<100000x128xf32, #tpu.memory_space<hbm>> -> memref<100000x128xf32, #tpu.memory_space<hbm>>
      tpu.wait_indirect_dma semaphore(%arg14 : memref<!tpu.dma_semaphore, #tpu.memory_space<semaphore_mem>>) src(%dma_wait3A_136 : memref<100000x128xf32, #tpu.memory_space<hbm>>) dst(%arg9 : memref<128x128xf32, #tpu.memory_space<vmem>>)
      %mul3A_137 = arith.constant 128 : i32
      %mul3A_138 = arith.muli %add3A_118, %mul3A_137 : i32
      %add3A_139 = arith.addi %mul3A_4, %mul3A_138 : i32
      %dma_start3A_140 = arith.constant 0 : i32
      %dma_start3A_141 = tpu.memref_slice %arg4[%add3A_139, %dma_start3A_140] : memref<204800x128xf32, #tpu.memory_space<hbm>> -> memref<128x128xf32, #tpu.memory_space<hbm>>
      %dma_start3A_142 = arith.constant 0 : i32
      %dma_start3A_143 = tpu.memref_slice %arg4[%add3A_139, %dma_start3A_142] : memref<204800x128xf32, #tpu.memory_space<hbm>> -> memref<128x128xf32, #tpu.memory_space<hbm>>
      tpu.enqueue_dma source(%arg9 : memref<128x128xf32, #tpu.memory_space<vmem>>) target(%dma_start3A_143 : memref<128x128xf32, #tpu.memory_space<hbm>>) target_semaphore(%arg19 : memref<!tpu.dma_semaphore, #tpu.memory_space<semaphore_mem>>)
      %add3A_144 = arith.constant 4 : i32
      %add3A_145 = arith.addi %mul3A_39, %add3A_144 : i32
      %add3A_146 = arith.constant 2 : i32
      %add3A_147 = arith.addi %add3A_145, %add3A_146 : i32
      %ge3A_148 = arith.constant 5 : i32
      %ge3A_149 = arith.cmpi sge, %add3A_147, %ge3A_148 : i32
      %convert_element_type3A_150 = arith.extui %ge3A_149 : i1 to i32
      %cond3A_151 = arith.constant 0 : i32
      %cond3A_152 = arith.cmpi ne, %convert_element_type3A_150, %cond3A_151 : i32
      scf.if %cond3A_152 {
        %dma_wait3A_171 = arith.constant 0 : i32
        %dma_wait3A_172 = tpu.memref_slice %arg4[%mul3A_4, %dma_wait3A_171] : memref<204800x128xf32, #tpu.memory_space<hbm>> -> memref<128x128xf32, #tpu.memory_space<hbm>>
        %dma_wait3A_173 = arith.constant 0 : i32
        %dma_wait3A_174 = tpu.memref_slice %arg4[%mul3A_4, %dma_wait3A_173] : memref<204800x128xf32, #tpu.memory_space<hbm>> -> memref<128x128xf32, #tpu.memory_space<hbm>>
        tpu.wait_dma2 semaphore(%arg17 : memref<!tpu.dma_semaphore, #tpu.memory_space<semaphore_mem>>) src(%arg7 : memref<128x128xf32, #tpu.memory_space<vmem>>) dst(%dma_wait3A_174 : memref<128x128xf32, #tpu.memory_space<hbm>>)
      } else {
      }
      %lt3A_153 = arith.constant 50 : i32
      %lt3A_154 = arith.cmpi slt, %add3A_147, %lt3A_153 : i32
      %convert_element_type3A_155 = arith.extui %lt3A_154 : i1 to i32
      %cond3A_156 = arith.constant 0 : i32
      %cond3A_157 = arith.cmpi ne, %convert_element_type3A_155, %cond3A_156 : i32
      scf.if %cond3A_157 {
        %dma_start3A_171 = arith.constant 0 : i32
        %dma_start3A_172 = tpu.memref_slice %arg5[%add3A_147, %dma_start3A_171] : memref<56x128xi32, #tpu.memory_space<vmem>> -> memref<1x128xi32, #tpu.memory_space<vmem>>
        %dma_start3A_173 = tpu.memref_squeeze %dma_start3A_172 : memref<1x128xi32, #tpu.memory_space<vmem>> -> memref<128xi32, #tpu.memory_space<vmem>>
        %dma_start3A_174 = arith.constant 0 : i32
        %dma_start3A_175 = arith.constant 0 : i32
        %dma_start3A_176 = tpu.memref_slice %arg3[%dma_start3A_174, %dma_start3A_175] : memref<100000x128xf32, #tpu.memory_space<hbm>> -> memref<100000x128xf32, #tpu.memory_space<hbm>>
        tpu.enqueue_indirect_dma source(%dma_start3A_176 : memref<100000x128xf32, #tpu.memory_space<hbm>>) target(%arg7 : memref<128x128xf32, #tpu.memory_space<vmem>>) offsets(%dma_start3A_173 : memref<128xi32, #tpu.memory_space<vmem>>) semaphore(%arg12 : memref<!tpu.dma_semaphore, #tpu.memory_space<semaphore_mem>>)
      } else {
      }
      %dma_wait3A_158 = arith.constant 0 : i32
      %dma_wait3A_159 = tpu.memref_slice %arg5[%add3A_145, %dma_wait3A_158] : memref<56x128xi32, #tpu.memory_space<vmem>> -> memref<1x128xi32, #tpu.memory_space<vmem>>
      %dma_wait3A_160 = tpu.memref_squeeze %dma_wait3A_159 : memref<1x128xi32, #tpu.memory_space<vmem>> -> memref<128xi32, #tpu.memory_space<vmem>>
      %dma_wait3A_161 = arith.constant 0 : i32
      %dma_wait3A_162 = arith.constant 0 : i32
      %dma_wait3A_163 = tpu.memref_slice %arg3[%dma_wait3A_161, %dma_wait3A_162] : memref<100000x128xf32, #tpu.memory_space<hbm>> -> memref<100000x128xf32, #tpu.memory_space<hbm>>
      tpu.wait_indirect_dma semaphore(%arg15 : memref<!tpu.dma_semaphore, #tpu.memory_space<semaphore_mem>>) src(%dma_wait3A_163 : memref<100000x128xf32, #tpu.memory_space<hbm>>) dst(%arg10 : memref<128x128xf32, #tpu.memory_space<vmem>>)
      %mul3A_164 = arith.constant 128 : i32
      %mul3A_165 = arith.muli %add3A_145, %mul3A_164 : i32
      %add3A_166 = arith.addi %mul3A_4, %mul3A_165 : i32
      %dma_start3A_167 = arith.constant 0 : i32
      %dma_start3A_168 = tpu.memref_slice %arg4[%add3A_166, %dma_start3A_167] : memref<204800x128xf32, #tpu.memory_space<hbm>> -> memref<128x128xf32, #tpu.memory_space<hbm>>
      %dma_start3A_169 = arith.constant 0 : i32
      %dma_start3A_170 = tpu.memref_slice %arg4[%add3A_166, %dma_start3A_169] : memref<204800x128xf32, #tpu.memory_space<hbm>> -> memref<128x128xf32, #tpu.memory_space<hbm>>
      tpu.enqueue_dma source(%arg10 : memref<128x128xf32, #tpu.memory_space<vmem>>) target(%dma_start3A_170 : memref<128x128xf32, #tpu.memory_space<hbm>>) target_semaphore(%arg20 : memref<!tpu.dma_semaphore, #tpu.memory_space<semaphore_mem>>)
    }
    %scan3A_21 = arith.constant 10 : i32
    %dma_wait3A = arith.constant 0 : i32
    %dma_wait3A_22 = tpu.memref_slice %arg4[%mul3A_4, %dma_wait3A] : memref<204800x128xf32, #tpu.memory_space<hbm>> -> memref<128x128xf32, #tpu.memory_space<hbm>>
    %dma_wait3A_23 = arith.constant 0 : i32
    %dma_wait3A_24 = tpu.memref_slice %arg4[%mul3A_4, %dma_wait3A_23] : memref<204800x128xf32, #tpu.memory_space<hbm>> -> memref<128x128xf32, #tpu.memory_space<hbm>>
    tpu.wait_dma2 semaphore(%arg18 : memref<!tpu.dma_semaphore, #tpu.memory_space<semaphore_mem>>) src(%arg8 : memref<128x128xf32, #tpu.memory_space<vmem>>) dst(%dma_wait3A_24 : memref<128x128xf32, #tpu.memory_space<hbm>>)
    %dma_wait3A_25 = arith.constant 0 : i32
    %dma_wait3A_26 = tpu.memref_slice %arg4[%mul3A_4, %dma_wait3A_25] : memref<204800x128xf32, #tpu.memory_space<hbm>> -> memref<128x128xf32, #tpu.memory_space<hbm>>
    %dma_wait3A_27 = arith.constant 0 : i32
    %dma_wait3A_28 = tpu.memref_slice %arg4[%mul3A_4, %dma_wait3A_27] : memref<204800x128xf32, #tpu.memory_space<hbm>> -> memref<128x128xf32, #tpu.memory_space<hbm>>
    tpu.wait_dma2 semaphore(%arg19 : memref<!tpu.dma_semaphore, #tpu.memory_space<semaphore_mem>>) src(%arg9 : memref<128x128xf32, #tpu.memory_space<vmem>>) dst(%dma_wait3A_28 : memref<128x128xf32, #tpu.memory_space<hbm>>)
    %dma_wait3A_29 = arith.constant 0 : i32
    %dma_wait3A_30 = tpu.memref_slice %arg4[%mul3A_4, %dma_wait3A_29] : memref<204800x128xf32, #tpu.memory_space<hbm>> -> memref<128x128xf32, #tpu.memory_space<hbm>>
    %dma_wait3A_31 = arith.constant 0 : i32
    %dma_wait3A_32 = tpu.memref_slice %arg4[%mul3A_4, %dma_wait3A_31] : memref<204800x128xf32, #tpu.memory_space<hbm>> -> memref<128x128xf32, #tpu.memory_space<hbm>>
    tpu.wait_dma2 semaphore(%arg20 : memref<!tpu.dma_semaphore, #tpu.memory_space<semaphore_mem>>) src(%arg10 : memref<128x128xf32, #tpu.memory_space<vmem>>) dst(%dma_wait3A_32 : memref<128x128xf32, #tpu.memory_space<hbm>>)
    return
  }
}

</mosaic_0001>

<sc_bundles>
// kernel: kernel.3.cloned.1.call-start
scs
__scs_entry_jumppad:
0x0: {  	(pc) =	sbr.rel $0x88, $3  }
0x1: {  	(tag) =	ssettag $0x0;
	lr =	simm.s32 $0x1  }
0x2: {  	[smem:$0x3F9F] =	sst lr;
	_ =	strace $0xD0000000  }
0x3: {  	_ = 	snop  }
0x4: {  	_ = 	snop  }
0x5: {  	_ = 	snop  }
0x6: {  	_ = 	snop  }
0x7: {  	_ = 	snop  }
__scs_overlays_trampoline_lowered:
0x8: {  	[smem:$0x3FAE] =	sst s0  }
0x9: {  	[smem:$0x3FAF] =	sst s1  }
0xa: {  	[smem:$0x3FB0] =	sst s2  }
0xb: {  	[smem:$0x3FB1] =	sst s3  }
0xc: {  	[smem:$0x3FB2] =	sst s4  }
0xd: {  	[smem:$0x3FB3] =	sst s5  }
0xe: {  	[smem:$0x3FB4] =	sst s6  }
0xf: {  	[smem:$0x3FB5] =	sst s7  }
0x10: {  	[smem:$0x3FB6] =	sst s8  }
0x11: {  	[smem:$0x3FB7] =	sst s9;
	s0 =	simm.s32 @!p0 $0x0  }
0x12: {  	s1 =	sld [smem:$0x3F9D];
	s0 =	simm.s32 @p0 $0x1  }
0x13: {  	[smem:$0x3FB8] =	sst s0;
	s0 =	simm.s32 @!p1 $0x0  }
0x14: {  	s2 =	sld [smem:$0x3F9C];
	s0 =	simm.s32 @p1 $0x1  }
0x15: {  	[smem:$0x3FB9] =	sst s0;
	s0 =	simm.s32 @!p2 $0x0  }
0x16: {  	s3 =	sld [smem:$0x3FDB];
	s0 =	simm.s32 @p2 $0x1  }
0x17: {  	s4 =	simm.s32 $0x1BF5;
	[smem:$0x3FBB] =	sst s0  }
0x18: {  	s0 =	sld [smem:$0x3F9E];
	_ =	swait.ge [sflag:s4], $0x0  }
0x19: {  	s7 =	sld [smem:$0x3F9F]  }
0x1a: {  	s8 =	sadd.s32 $0xFFFFE003, lr  }
0x1b: {  	s9 =	sadd.s32 $0xFFFFFEF7, lr;
	s5 =	simm.s32 $0xFFFFFFFF;
	p2 =	slt.u32 s8, $0xFFFFF086  }
0x1c: {  	p1 =	slt.u32 s9, $0xF7A;
	s5 =	simm.s32 @!p2 $0x0  }
0x1d: {  	s5 =	simm.s32 @p1 $0x1;
	p0 =	seq.s32 s7, s2  }
0x1e: {  	s7 =	smul.u32 @!p0 $0xF7A, s2;
	p2 =	seq.s32 @!p0 s5, $0x0  }
0x1f: {  	s9 =	smul.u32 $0xF7A, s1;
	s8 =	simm.s32 @!p0 $0x1BF5;
	p2 =	por !p2, p0  }
0x20: {  	[sflag:s8] =	ssyncset.s32 @!p0 $0xFFFFF086;
	s6 =	sadd.s32 @!p0 s3, s7;
	s7 =	simm.s32 @!p0 $0x108  }
0x21: {  	s3 =	sadd.s32 s3, s9;
	s6 =	sadd.s32 @!p0 $0x88, s6;
	s7 =	simm.s32 @p2 $0x1082  }
0x22: {  	[simem:s7], [sflag:s8] =	dma.local @!p0 [hbm:s6], $0xF7A  }
0x23: {  	s9 =	sor.u32 $0xD0000000, s2;
	s6 =	simm.s32 $0x108;
	_ =	swait.ge @!p0 [sflag:s8], $0x0  }
0x24: {  	s3 =	sadd.s32 $0x88, s3;
	s6 =	simm.s32 @!p1 $0x1082;
	[sflag:s4] =	ssyncset.s32 $0xFFFFF086  }
0x25: {  	[simem:s6], [sflag:s4] =	dma.local [hbm:s3], $0xF7A  }
0x26: {  	[smem:$0x3F9F] =	sst s1;
	(tag) =	ssettag s2;
	_ =	strace s9  }
0x27: {  	s1 =	sld [smem:$0x3FAF]  }
0x28: {  	s2 =	sld [smem:$0x3FB0]  }
0x29: {  	s4 =	sld [smem:$0x3FB2]  }
0x2a: {  	p0 =	seq.s32 s5, $0x0;
	s5 =	sld [smem:$0x3FB3]  }
0x2b: {  	s6 =	sld [smem:$0x3FB4]  }
0x2c: {  	s7 =	sld [smem:$0x3FB5]  }
0x2d: {  	s3 =	simm.s32 $0x108;
	s8 =	sld [smem:$0x3FB6]  }
0x2e: {  	s3 =	simm.s32 @!p0 $0x1082;
	s9 =	sld [smem:$0x3FB7]  }
0x2f: {  	lr =	sadd.s32 s0, s3;
	s0 =	sld [smem:$0x3FAE]  }
0x30: {  	s3 =	sld [smem:$0x3FB1]  }
0x31: {  	[smem:$0x3FBA] =	sst s10  }
0x32: {  	s10 =	sld [smem:$0x3FB8];
	_ =	sdelay $0x3  }
0x33: {  	p0 =	seq.s32 s10, $0x1;
	s10 =	sld [smem:$0x3FBA];
	_ =	sdelay $0x3  }
0x34: {  	[smem:$0x3FBA] =	sst s10  }
0x35: {  	s10 =	sld [smem:$0x3FB9];
	_ =	sdelay $0x3  }
0x36: {  	p1 =	seq.s32 s10, $0x1;
	s10 =	sld [smem:$0x3FBA];
	_ =	sdelay $0x3  }
0x37: {  	[smem:$0x3FBA] =	sst s10  }
0x38: {  	s10 =	sld [smem:$0x3FBB]  }
0x39: {  	_ = 	snop;
	(pc) =	sbr.ind lr, $3  }
0x3a: {  	_ = 	snop  }
0x3b: {  	_ = 	snop  }
0x3c: {  	p2 =	seq.s32 s10, $0x1;
	s10 =	sld [smem:$0x3FBA]  }
0x3d: {  	_ =	shalt  }
0x3e: {  	_ =	shalt  }
0x3f: {  	_ =	shalt  }
0x40: {  	_ =	shalt  }
0x41: {  	_ =	shalt  }
0x42: {  	_ =	shalt  }
0x43: {  	_ =	shalt  }
0x44: {  	_ =	shalt  }
0x45: {  	_ =	shalt  }
0x46: {  	_ =	shalt  }
0x47: {  	_ =	shalt  }
0x48: {  	_ =	shalt  }
0x49: {  	_ =	shalt  }
0x4a: {  	_ =	shalt  }
0x4b: {  	_ =	shalt  }
0x4c: {  	_ =	shalt  }
0x4d: {  	_ =	shalt  }
0x4e: {  	_ =	shalt  }
0x4f: {  	_ =	shalt  }
0x50: {  	_ =	shalt  }
0x51: {  	_ =	shalt  }
0x52: {  	_ =	shalt  }
0x53: {  	_ =	shalt  }
0x54: {  	_ =	shalt  }
0x55: {  	_ =	shalt  }
0x56: {  	_ =	shalt  }
0x57: {  	_ =	shalt  }
0x58: {  	_ =	shalt  }
0x59: {  	_ =	shalt  }
0x5a: {  	_ =	shalt  }
0x5b: {  	_ =	shalt  }
0x5c: {  	_ =	shalt  }
0x5d: {  	_ =	shalt  }
0x5e: {  	_ =	shalt  }
0x5f: {  	_ =	shalt  }
0x60: {  	_ =	shalt  }
0x61: {  	_ =	shalt  }
0x62: {  	_ =	shalt  }
0x63: {  	_ =	shalt  }
0x64: {  	_ =	shalt  }
0x65: {  	_ =	shalt  }
0x66: {  	_ =	shalt  }
0x67: {  	_ =	shalt  }
0x68: {  	_ =	shalt  }
0x69: {  	_ =	shalt  }
0x6a: {  	_ =	shalt  }
0x6b: {  	_ =	shalt  }
0x6c: {  	_ =	shalt  }
0x6d: {  	_ =	shalt  }
0x6e: {  	_ =	shalt  }
0x6f: {  	_ =	shalt  }
0x70: {  	_ =	shalt  }
0x71: {  	_ =	shalt  }
0x72: {  	_ =	shalt  }
0x73: {  	_ =	shalt  }
0x74: {  	_ =	shalt  }
0x75: {  	_ =	shalt  }
0x76: {  	_ =	shalt  }
0x77: {  	_ =	shalt  }
0x78: {  	_ =	shalt  }
0x79: {  	_ =	shalt  }
0x7a: {  	_ =	shalt  }
0x7b: {  	_ =	shalt  }
0x7c: {  	_ =	shalt  }
0x7d: {  	_ =	shalt  }
0x7e: {  	_ =	shalt  }
0x7f: {  	_ =	shalt  }
0x80: {  	_ =	shalt  }
0x81: {  	_ =	shalt  }
0x82: {  	_ =	shalt  }
0x83: {  	_ =	shalt  }
0x84: {  	_ =	shalt  }
0x85: {  	_ =	shalt  }
0x86: {  	_ =	shalt  }
0x87: {  	_ =	shalt  }
.Lfunc_end0:
.L_simem_size_0:
called_computation_lowered:
.L_overlay_start_0:
0x88: {  	s2 =	sld [smem:$0x3FD9]  }
0x89: {  	s3 =	sld [smem:$0x3FFE];
	_ =	sdelay $0x1  }
0x8a: {  	s1 =	srdreg.scid  }
0x8b: {  	s0 =	sand.u32 $0x1, s1  }
0x8c: {  	s17 =	sshll.u32 s0, $0xA;
	s2 =	sadd.s32 s3, s2  }
0x8d: {  	s2 =	sadd.s32 s2, s17  }
0x8e: {  	[smem:$0x3FC6] =	sst s2  }
0x8f: {  	_ = 	snop  }
0x90: {  	s2 =	sld [smem:$0x3FC8]  }
0x91: {  	s18 =	sld [smem:$0x3FD0];
	(tm) =	ssettm $0x1  }
0x92: {  	s4 =	sld [smem:$0x3FFB];
	_ =	sdelay $0x3  }
0x93: {  	_ =	strace s4  }
0x94: {  	s4 =	sld [smem:$0x3FFC];
	_ =	sdelay $0x3  }
0x95: {  	_ =	strace s4  }
0x96: {  	s4 =	sld [smem:$0x3FFD];
	_ =	sdelay $0x3  }
0x97: {  	_ =	strace s4  }
0x98: {  	_ =	strace $0x8FFFFFFF  }
0x99: {  	s19 =	sld [smem:$0x3FDB];
	_ =	sdelay $0x1  }
0x9a: {  	s5 =	simm.s32 $_scs_section_size  }
0x9b: {  	s6 =	simm.s32 $_size__tile_overlayer_lowered;
	s7 =	simm.s32 $_tile_overlayer_lowered  }
0x9c: {  	s22 =	simm.s32 $0x1BFF;
	s21 =	sshll.u32 s7, $0x1;
	s4 =	sadd.s32 s5, s19  }
0x9d: {  	s8 =	simm.s32 $0x0;
	s20 =	sshll.u32 s6, $0x1;
	s6 =	sadd.s32 s21, s4  }
0x9e: {  	[timem:s8], [sflag:s22] =	dma.local [hbm:s6], s20  }
0x9f: {  	_ =	swait.ge [sflag:s22], s20  }
0xa0: {  	s5 =	ssub.s32 $0x0, s20;
	[sflag:s22] =	ssyncset.done $0x0  }
0xa1: {  	[sflag:s22] =	ssyncadd.s32 s5;
	_ =	sdelay $0x1  }
0xa2: {  	s23 =	simm.s32 $0x1B8B  }
0xa3: {  	_ =	swait.ge [sflag:s23], $0x1  }
0xa4: {  	[sflag:s23] =	ssyncset.done $0x0  }
0xa5: {  	s25 =	simm.s32 $0x1B8E;
	s24 =	sld [smem:$0x3FFE];
	[sflag:s23] =	ssyncadd.s32 $0xFFFFFFFF  }
0xa6: {  	s26 =	simm.s32 $execute0_lowered;
	[smem:$0x3FD2] =	sst s25  }
0xa7: {  	s6 =	sshll.u32 s26, $0x1;
	_ =	strace $0x80000046;
	[dreg:$0x1] =	wrdreg $0xFFFFFFFF  }
0xa8: {  	s28 =	simm.s32 $_size_execute0_lowered;
	s4 =	sadd.s32 s4, s6;
	[dreg:$0x0] =	wrdreg $0x0  }
0xa9: {  	s6 =	sshll.u32 s28, $0x1;
	[dreg:$0x2] =	wrdreg s4  }
0xaa: {  	[dreg:$0x3] =	wrdreg s6  }
0xab: {  	[dreg:$0x4] =	wrdreg $0xC0  }
0xac: {  	_ =	task [dreg:s8], $0x5FFFF  }
0xad: {  	[dreg:$0x1] =	wrdreg $0xFFFFFFFF  }
0xae: {  	[dreg:$0x0] =	wrdreg $0x60  }
0xaf: {  	[dreg:$0x2] =	wrdreg s24  }
0xb0: {  	[dreg:$0x3] =	wrdreg s2  }
0xb1: {  	[dreg:$0x4] =	wrdreg s18  }
0xb2: {  	[dreg:$0x5] =	wrdreg $0x9  }
0xb3: {  	_ =	task.clear_ibuf [dreg:s8], $0x6FFFF;
	_ =	strace $0x90000046  }
0xb4: {  	s29 =	simm.s32 $0x9;
	_ =	strace $0x80000048  }
0xb5: {  	_ =	swait.ge [sflag:s29], $0x1  }
0xb6: {  	[sflag:s29] =	ssyncadd.s32 $0xFFFFFFFF  }
0xb7: {  	_ =	strace $0x90000048  }
0xb8: {  	_ =	sfence  }
0xb9: {  	s30 =	sld [smem:$0x0];
	_ =	sdelay $0x2  }
0xba: {  	s31 =	sshll.u32 s1, $0xD;
	s1 =	sshrl.u32 s1, $0x2  }
0xbb: {  	s3 =	sand.u32 $0x4000, s31;
	s1 =	sadd.s32 s1, s30  }
0xbc: {  	s0 =	sor.u32 s3, s0;
	s1 =	sshll.u32 s1, $0x11  }
0xbd: {  	s0 =	sor.u32 s1, s0  }
0xbe: {  	s0 =	sadd.s32 $0x8F2B, s0  }
0xbf: {  	[sflag:s0] =	ssyncadd.remote.s32 $0x1  }
0xc0: {  	_ =	sfence.sel $0xFFFF  }
0xc1: {  	[dreg:$0x0] =	wrdreg $0xFFFFFFFF;
	(pc) =	sbr.abs _section_cstart, $3  }
0xc2: {  	[dreg:$0x1] =	wrdreg $0xFFFFFFFF  }
0xc3: {  	_ =	task.clear_ibuf [dreg:s8], $0x2FFFF;
	_ =	strace $0x9FFFFFFF  }
0xc4: {  	(tm) =	ssettm $0x7FFFFFFF  }
0xc5: {  	_ =	shalt  }
tec
execute0_lowered:
.L_overlay_start_1:
0x0: {  	(tag) =	ssettag $0x1  }
0x1: {  	s0 =	rddreg [dreg:$0x0];
	s1 =	srdreg.scid  }
0x2: {  	s8 =	stileid.u32;
	s2 =	rddreg [dreg:$0x1]  }
0x3: {  	s4 =	rddreg [dreg:$0x2];
	s11 =	simm.s32 $0x80;
	s12 =	simm.s32 $0x1C00  }
0x4: {  	s13 =	simm.s32 $0x5C00;
	s14 =	simm.s32 $0x9C00;
	s15 =	simm.s32 $0x1  }
0x5: {  	s16 =	simm.s32 $0xDC00;
	s17 =	simm.s32 $0x2;
	s18 =	simm.s32 $0x11C00  }
0x6: {  	s19 =	simm.s32 $0x3;
	s20 =	simm.s32 $0x6;
	s21 =	simm.s32 $0x4  }
0x7: {  	s22 =	simm.s32 $0x7;
	s23 =	simm.s32 $0x5;
	s6 =	smul.u32 $0x32000, s8  }
0x8: {  	s1 =	sand.u32 $0x1, s1;
	s3 =	sshll.u32 s8, $0x1;
	s8 =	smul.u32 $0x190000, s8  }
0x9: {  	s28 =	simm.s32 $0x0;
	s5 =	sor.u32 s1, s3;
	s7 =	smul.u32 $0x19000, s1  }
0xa: {  	s3 =	simm.s32 $0x0;
	s24 =	ssub.s32 $0x2, s1;
	s1 =	smul.u32 $0xC8000, s1  }
0xb: {  	s5 =	smul.u32 $0x380, s5;
	[smem:$0x7FF] =	sst s3;
	s6 =	sadd.s32 s6, s4  }
0xc: {  	s9 =	sshrl.u32 s24, $0x1;
	_ =	strace $0x80000047;
	s25 =	sadd.s32 s7, s6  }
0xd: {  	s26 =	sadd.s32 s1, s8;
	s0 =	sadd.s32 s5, s0;
	s5 =	ssub.s32 s24, s9  }
0xe: {  	s6 =	sadd.s32 $0x800, s25;
	s1 =	sadd.s32 $0x10000, s26;
	s29 =	sadd.s32 $0xC000, s26  }
0xf: {  	s0 =	sadd.s32 $0x400, s0;
	s5 =	smax.u32 s5, $0x1;
	s1 =	sshrl.u32 s1, $0x3  }
0x10: {  	s30 =	sshrl.u32 s29, $0x3;
	[dreg:$0x4] =	wrdreg s0;
	s0 =	sadd.s32 $0x8000, s26  }
0x11: {  	[dreg:$0x5] =	wrdreg s5;
	s31 =	sadd.s32 s30, s4;
	s0 =	sshrl.u32 s0, $0x3  }
0x12: {  	s5 =	sadd.s32 s1, s4;
	[dreg:$0x6] =	wrdreg s31;
	s9 =	sadd.s32 s0, s4  }
.LBB2_1:
0x13: {  	s0 =	rddreg [dreg:$0x4];
	s8 =	simm.s32 $0xB  }
0x14: {  	[tilespmem:s3], [sflag:$0xB] =	stream.linear.gather [hbm4b:s0+s3], $0x1C00, $0x38;
	[tilespmem:$0x15C00] =	vst v63  }
0x15: {  	_ =	swait.ge [sflag:s8], $0x1C00  }
0x16: {  	[sflag:s8] =	ssyncset.done $0x0  }
0x17: {  	p0 =	por $0x1, $0x1;
	[sflag:s8] =	ssyncadd.s32 $0xFFFFE400  }
0x18: {  	[tilespmem:s12], [sflag:$0x1] =	stream.indirect.gather [hbm4b:s2+s11], $0x80, s3, s11, $0xb8;
	[tilespmem:$0x15C00] =	vst v63  }
0x19: {  	s0 =	simm.s32 @!p0 $0x8  }
0x1a: {  	[tilespmem:s13], [sflag:$0x2] =	stream.indirect.gather [hbm4b:s2+s11], $0x80, s11, s11, $0xb8;
	[tilespmem:$0x15C00] =	vst v63  }
0x1b: {  	_ =	swait.ge @!p0 [sflag:s0], $0x4000  }
0x1c: {  	[sflag:s0] =	ssyncset.done @!p0 $0x0  }
0x1d: {  	s10 =	simm.s32 $0x100;
	[sflag:s0] =	ssyncadd.s32 @!p0 $0xFFFFC000  }
0x1e: {  	[tilespmem:s14], [sflag:$0x3] =	stream.indirect.gather [hbm4b:s2+s11], $0x80, s10, s11, $0xb8;
	[tilespmem:$0x15C00] =	vst v63  }
0x1f: {  	_ =	swait.ge [sflag:s15], $0x4000  }
0x20: {  	[sflag:s15] =	ssyncset.done $0x0  }
0x21: {  	s24 =	sadd.s32 $0xFFFFF800, s6;
	s1 =	simm.s32 @!p0 $0x9;
	[sflag:s15] =	ssyncadd.s32 $0xFFFFC000  }
0x22: {  	[hbm4b:s24+s3] =	stream.linear.scatter [tilespmem:s12], [sflag:$0x6], $0x4000, $0x38;
	[tilespmem:$0x15C00] =	vst v63  }
0x23: {  	_ =	swait.ge @!p0 [sflag:s1], $0x4000  }
0x24: {  	[sflag:s1] =	ssyncset.done @!p0 $0x0  }
0x25: {  	s25 =	simm.s32 $0x180;
	[sflag:s1] =	ssyncadd.s32 @!p0 $0xFFFFC000  }
0x26: {  	[tilespmem:s16], [sflag:$0x4] =	stream.indirect.gather [hbm4b:s2+s11], $0x80, s25, s11, $0xb8;
	[tilespmem:$0x15C00] =	vst v63  }
0x27: {  	_ =	swait.ge [sflag:s17], $0x4000  }
0x28: {  	[sflag:s17] =	ssyncset.done $0x0  }
0x29: {  	s0 =	simm.s32 @!p0 $0xA;
	[sflag:s17] =	ssyncadd.s32 $0xFFFFC000  }
0x2a: {  	[hbm4b:s6+s3] =	stream.linear.scatter [tilespmem:s13], [sflag:$0x7], $0x4000, $0x38;
	[tilespmem:$0x15C00] =	vst v63  }
0x2b: {  	_ =	swait.ge @!p0 [sflag:s0], $0x4000  }
0x2c: {  	[sflag:s0] =	ssyncset.done @!p0 $0x0  }
0x2d: {  	s26 =	simm.s32 $0x200;
	[sflag:s0] =	ssyncadd.s32 @!p0 $0xFFFFC000  }
0x2e: {  	[tilespmem:s18], [sflag:$0x5] =	stream.indirect.gather [hbm4b:s2+s11], $0x80, s26, s11, $0xb8;
	[tilespmem:$0x15C00] =	vst v63  }
0x2f: {  	_ =	swait.ge [sflag:s19], $0x4000  }
0x30: {  	[sflag:s19] =	ssyncset.done $0x0  }
0x31: {  	[sflag:s19] =	ssyncadd.s32 $0xFFFFC000  }
0x32: {  	[hbm4b:s9+s3] =	stream.linear.scatter [tilespmem:s14], [sflag:$0x8], $0x4000, $0x38;
	[tilespmem:$0x15C00] =	vst v63  }
0x33: {  	p0 =	por $0x0, $0x0;
	_ =	swait.ge [sflag:s20], $0x4000  }
0x34: {  	s0 =	simm.s32 @!p0 $0x1C00;
	[sflag:s20] =	ssyncset.done $0x0  }
0x35: {  	s1 =	simm.s32 @!p0 $0x280;
	s7 =	simm.s32 @!p0 $0x80;
	[sflag:s20] =	ssyncadd.s32 $0xFFFFC000  }
0x36: {  	[tilespmem:s0], [sflag:$0x1] =	stream.indirect.gather @!p0 [hbm4b:s2+s7], $0x80, s1, s7, $0xb8;
	[tilespmem:$0x15C00] =	vst v63  }
0x37: {  	_ =	swait.ge [sflag:s21], $0x4000  }
0x38: {  	[sflag:s21] =	ssyncset.done $0x0  }
0x39: {  	s8 =	rddreg [dreg:$0x6];
	[sflag:s21] =	ssyncadd.s32 $0xFFFFC000  }
0x3a: {  	[hbm4b:s8+s3] =	stream.linear.scatter [tilespmem:s16], [sflag:$0x9], $0x4000, $0x38;
	[tilespmem:$0x15C00] =	vst v63  }
0x3b: {  	s31 =	simm.s32 $0xA00;
	s4 =	simm.s32 $0x1400;
	_ =	swait.ge [sflag:s22], $0x4000  }
0x3c: {  	s29 =	sadd.s32 $0x2800, s5;
	p1 =	por $0x0, $0x0;
	[sflag:s22] =	ssyncset.done $0x0  }
0x3d: {  	s10 =	simm.s32 @!p0 $0x5C00;
	s0 =	simm.s32 @!p0 $0x300;
	[sflag:s22] =	ssyncadd.s32 $0xFFFFC000  }
0x3e: {  	[tilespmem:s10], [sflag:$0x2] =	stream.indirect.gather @!p0 [hbm4b:s2+s7], $0x80, s0, s7, $0xb8;
	[tilespmem:$0x15C00] =	vst v63  }
0x3f: {  	s1 =	sadd.s32 $0x2800, s9;
	s30 =	sadd.s32 $0x2800, s8;
	_ =	swait.ge [sflag:s23], $0x4000  }
0x40: {  	s0 =	sadd.s32 $0x2800, s6;
	s7 =	smov.u32 s5;
	[sflag:s23] =	ssyncset.done $0x0  }
.LBB2_2:
0x41: {  	s24 =	simm.s32 @!p1 $0x8  }
0x42: {  	[sflag:s23] =	ssyncadd.s32 $0xFFFFC000;
	s10 =	smov.u32 s4;
	s4 =	sadd.s32 $0xA00, s4  }
0x43: {  	[hbm4b:s7+s3] =	stream.linear.scatter [tilespmem:s18], [sflag:$0xA], $0x4000, $0x38;
	[tilespmem:$0x15C00] =	vst v63  }
0x44: {  	p0 =	sne.s32 s4, $0x6400;
	s7 =	smov.u32 s29;
	_ =	swait.ge @!p1 [sflag:s24], $0x4000  }
0x45: {  	s25 =	sshra.s32 s31, $0x2;
	[sflag:s24] =	ssyncset.done @!p1 $0x0  }
0x46: {  	[sflag:s24] =	ssyncadd.s32 @!p1 $0xFFFFC000;
	s24 =	sadd.s32 $0x100, s25  }
0x47: {  	[tilespmem:s14], [sflag:$0x3] =	stream.indirect.gather [hbm4b:s2+s11], $0x80, s24, s11, $0xb8;
	[tilespmem:$0x15C00] =	vst v63  }
0x48: {  	_ =	swait.ge [sflag:s15], $0x4000  }
0x49: {  	[sflag:s15] =	ssyncset.done $0x0  }
0x4a: {  	s26 =	simm.s32 @!p1 $0x9;
	s24 =	sadd.s32 $0xFFFFF800, s0;
	[sflag:s15] =	ssyncadd.s32 $0xFFFFC000  }
0x4b: {  	[hbm4b:s24+s3] =	stream.linear.scatter [tilespmem:s12], [sflag:$0x6], $0x4000, $0x38;
	[tilespmem:$0x15C00] =	vst v63  }
0x4c: {  	_ =	swait.ge @!p1 [sflag:s26], $0x4000  }
0x4d: {  	[sflag:s26] =	ssyncset.done @!p1 $0x0  }
0x4e: {  	s24 =	sadd.s32 $0x180, s25;
	[sflag:s26] =	ssyncadd.s32 @!p1 $0xFFFFC000  }
0x4f: {  	[tilespmem:s16], [sflag:$0x4] =	stream.indirect.gather [hbm4b:s2+s11], $0x80, s24, s11, $0xb8;
	[tilespmem:$0x15C00] =	vst v63  }
0x50: {  	_ =	swait.ge [sflag:s17], $0x4000  }
0x51: {  	[sflag:s17] =	ssyncset.done $0x0  }
0x52: {  	s24 =	simm.s32 @!p1 $0xA;
	[sflag:s17] =	ssyncadd.s32 $0xFFFFC000  }
0x53: {  	[hbm4b:s0+s3] =	stream.linear.scatter [tilespmem:s13], [sflag:$0x7], $0x4000, $0x38;
	[tilespmem:$0x15C00] =	vst v63  }
0x54: {  	_ =	swait.ge @!p1 [sflag:s24], $0x4000  }
0x55: {  	[sflag:s24] =	ssyncset.done @!p1 $0x0  }
0x56: {  	[sflag:s24] =	ssyncadd.s32 @!p1 $0xFFFFC000;
	s24 =	sadd.s32 $0x200, s25  }
0x57: {  	[tilespmem:s18], [sflag:$0x5] =	stream.indirect.gather [hbm4b:s2+s11], $0x80, s24, s11, $0xb8;
	[tilespmem:$0x15C00] =	vst v63  }
0x58: {  	_ =	swait.ge [sflag:s19], $0x4000  }
0x59: {  	[sflag:s19] =	ssyncset.done $0x0  }
0x5a: {  	[sflag:s19] =	ssyncadd.s32 $0xFFFFC000  }
0x5b: {  	[hbm4b:s1+s3] =	stream.linear.scatter [tilespmem:s14], [sflag:$0x8], $0x4000, $0x38;
	[tilespmem:$0x15C00] =	vst v63  }
0x5c: {  	p1 =	seq.s32 s31, $0x5A00;
	_ =	swait.ge [sflag:s20], $0x4000  }
0x5d: {  	s24 =	sshra.s32 @!p1 s31, $0x2;
	s25 =	simm.s32 @!p1 $0x1C00;
	[sflag:s20] =	ssyncset.done $0x0  }
0x5e: {  	s8 =	simm.s32 @!p1 $0x80;
	s26 =	sadd.s32 @!p1 $0x280, s24;
	[sflag:s20] =	ssyncadd.s32 $0xFFFFC000  }
0x5f: {  	[tilespmem:s25], [sflag:$0x1] =	stream.indirect.gather @!p1 [hbm4b:s2+s8], $0x80, s26, s8, $0xb8;
	[tilespmem:$0x15C00] =	vst v63  }
0x60: {  	s31 =	smov.u32 s10;
	s24 =	sadd.s32 @!p1 $0x300, s24;
	_ =	swait.ge [sflag:s21], $0x4000  }
0x61: {  	[sflag:s21] =	ssyncset.done $0x0  }
0x62: {  	[sflag:s21] =	ssyncadd.s32 $0xFFFFC000  }
0x63: {  	[hbm4b:s30+s3] =	stream.linear.scatter [tilespmem:s16], [sflag:$0x9], $0x4000, $0x38;
	[tilespmem:$0x15C00] =	vst v63  }
0x64: {  	_ =	swait.ge [sflag:s22], $0x4000  }
.Ltmp0:
0x65: {  	[sflag:s22] =	ssyncset.done $0x0;
	(pc) =	sbr.rel @p0 .LBB2_2-.Ltmp0, $4  }
0x66: {  	s10 =	simm.s32 @!p1 $0x5C00;
	s1 =	sadd.s32 $0x2800, s1;
	[sflag:s22] =	ssyncadd.s32 $0xFFFFC000  }
0x67: {  	[tilespmem:s10], [sflag:$0x2] =	stream.indirect.gather @!p1 [hbm4b:s2+s8], $0x80, s24, s8, $0xb8;
	[tilespmem:$0x15C00] =	vst v63  }
0x68: {  	s29 =	sadd.s32 $0x2800, s29;
	s30 =	sadd.s32 $0x2800, s30;
	_ =	swait.ge [sflag:s23], $0x4000  }
0x69: {  	s0 =	sadd.s32 $0x2800, s0;
	p1 =	seq.s32 s31, $0x0;
	[sflag:s23] =	ssyncset.done $0x0  }
0x6a: {  	s4 =	simm.s32 @!p1 $0x8;
	[sflag:s23] =	ssyncadd.s32 $0xFFFFC000  }
0x6b: {  	[hbm4b:s7+s3] =	stream.linear.scatter [tilespmem:s18], [sflag:$0xA], $0x4000, $0x38;
	[tilespmem:$0x15C00] =	vst v63  }
0x6c: {  	_ =	swait.ge @!p1 [sflag:s4], $0x4000  }
0x6d: {  	s26 =	sshra.s32 s31, $0x2;
	[sflag:s4] =	ssyncset.done @!p1 $0x0  }
0x6e: {  	s8 =	sadd.s32 $0x100, s26;
	[sflag:s4] =	ssyncadd.s32 @!p1 $0xFFFFC000  }
0x6f: {  	[tilespmem:s14], [sflag:$0x3] =	stream.indirect.gather [hbm4b:s2+s11], $0x80, s8, s11, $0xb8;
	[tilespmem:$0x15C00] =	vst v63  }
0x70: {  	_ =	swait.ge [sflag:s15], $0x4000  }
0x71: {  	[sflag:s15] =	ssyncset.done $0x0  }
0x72: {  	s10 =	sadd.s32 $0xFFFFF800, s0;
	s4 =	simm.s32 @!p1 $0x9;
	[sflag:s15] =	ssyncadd.s32 $0xFFFFC000  }
0x73: {  	[hbm4b:s10+s3] =	stream.linear.scatter [tilespmem:s12], [sflag:$0x6], $0x4000, $0x38;
	[tilespmem:$0x15C00] =	vst v63  }
0x74: {  	_ =	swait.ge @!p1 [sflag:s4], $0x4000  }
0x75: {  	[sflag:s4] =	ssyncset.done @!p1 $0x0  }
0x76: {  	s24 =	sadd.s32 $0x180, s26;
	[sflag:s4] =	ssyncadd.s32 @!p1 $0xFFFFC000  }
0x77: {  	[tilespmem:s16], [sflag:$0x4] =	stream.indirect.gather [hbm4b:s2+s11], $0x80, s24, s11, $0xb8;
	[tilespmem:$0x15C00] =	vst v63  }
0x78: {  	_ =	swait.ge [sflag:s17], $0x4000  }
0x79: {  	[sflag:s17] =	ssyncset.done $0x0  }
0x7a: {  	[sflag:s17] =	ssyncadd.s32 $0xFFFFC000  }
0x7b: {  	[hbm4b:s0+s3] =	stream.linear.scatter [tilespmem:s13], [sflag:$0x7], $0x4000, $0x38;
	[tilespmem:$0x15C00] =	vst v63  }
0x7c: {  	s0 =	simm.s32 @!p1 $0xA  }
0x7d: {  	_ =	swait.ge @!p1 [sflag:s0], $0x4000  }
0x7e: {  	[sflag:s0] =	ssyncset.done @!p1 $0x0  }
0x7f: {  	s25 =	sadd.s32 $0x200, s26;
	[sflag:s0] =	ssyncadd.s32 @!p1 $0xFFFFC000  }
0x80: {  	[tilespmem:s18], [sflag:$0x5] =	stream.indirect.gather [hbm4b:s2+s11], $0x80, s25, s11, $0xb8;
	[tilespmem:$0x15C00] =	vst v63  }
0x81: {  	_ =	swait.ge [sflag:s19], $0x4000  }
0x82: {  	[sflag:s19] =	ssyncset.done $0x0  }
0x83: {  	[sflag:s19] =	ssyncadd.s32 $0xFFFFC000  }
0x84: {  	[hbm4b:s1+s3] =	stream.linear.scatter [tilespmem:s14], [sflag:$0x8], $0x4000, $0x38;
	[tilespmem:$0x15C00] =	vst v63  }
0x85: {  	p0 =	seq.s32 s31, $0x5A00;
	_ =	swait.ge [sflag:s20], $0x4000  }
0x86: {  	s7 =	simm.s32 @!p0 $0x80;
	s0 =	sshra.s32 @!p0 s31, $0x2;
	[sflag:s20] =	ssyncset.done $0x0  }
0x87: {  	s4 =	sadd.s32 @!p0 $0x280, s0;
	s1 =	simm.s32 @!p0 $0x1C00;
	[sflag:s20] =	ssyncadd.s32 $0xFFFFC000  }
0x88: {  	[tilespmem:s1], [sflag:$0x1] =	stream.indirect.gather @!p0 [hbm4b:s2+s7], $0x80, s4, s7, $0xb8;
	[tilespmem:$0x15C00] =	vst v63  }
0x89: {  	_ =	swait.ge [sflag:s21], $0x4000  }
0x8a: {  	[sflag:s21] =	ssyncset.done $0x0  }
0x8b: {  	[sflag:s21] =	ssyncadd.s32 $0xFFFFC000  }
0x8c: {  	[hbm4b:s30+s3] =	stream.linear.scatter [tilespmem:s16], [sflag:$0x9], $0x4000, $0x38;
	[tilespmem:$0x15C00] =	vst v63  }
0x8d: {  	_ =	swait.ge [sflag:s22], $0x4000  }
0x8e: {  	[sflag:s22] =	ssyncset.done $0x0  }
0x8f: {  	s0 =	sadd.s32 @!p0 $0x300, s0;
	s1 =	simm.s32 @!p0 $0x5C00;
	[sflag:s22] =	ssyncadd.s32 $0xFFFFC000  }
0x90: {  	[tilespmem:s1], [sflag:$0x2] =	stream.indirect.gather @!p0 [hbm4b:s2+s7], $0x80, s0, s7, $0xb8;
	[tilespmem:$0x15C00] =	vst v63  }
0x91: {  	_ =	swait.ge [sflag:s23], $0x4000  }
0x92: {  	[sflag:s23] =	ssyncset.done $0x0  }
0x93: {  	s26 =	simm.s32 $0x8;
	[sflag:s23] =	ssyncadd.s32 $0xFFFFC000  }
0x94: {  	[hbm4b:s29+s3] =	stream.linear.scatter [tilespmem:s18], [sflag:$0xA], $0x4000, $0x38;
	[tilespmem:$0x15C00] =	vst v63  }
0x95: {  	_ =	swait.ge [sflag:s26], $0x4000  }
0x96: {  	[sflag:s26] =	ssyncset.done $0x0  }
0x97: {  	s29 =	simm.s32 $0x9;
	[sflag:s26] =	ssyncadd.s32 $0xFFFFC000  }
0x98: {  	_ =	swait.ge [sflag:s29], $0x4000  }
0x99: {  	[sflag:s29] =	ssyncset.done $0x0  }
0x9a: {  	s30 =	simm.s32 $0xA;
	[sflag:s29] =	ssyncadd.s32 $0xFFFFC000  }
0x9b: {  	_ =	swait.ge [sflag:s30], $0x4000  }
0x9c: {  	s28 =	sadd.s32 $0x1, s28;
	s31 =	rddreg [dreg:$0x5]  }
0x9d: {  	p0 =	sne.s32 s28, s31  }
.Ltmp1:
0x9e: {  	_ = 	snop;
	(pc) =	sbr.rel @p0 .LBB2_1-.Ltmp1, $3  }
0x9f: {  	_ =	sdelay $0x1  }
0xa0: {  	[sflag:s30] =	ssyncset.done $0x0  }
0xa1: {  	[sflag:s30] =	ssyncadd.s32 $0xFFFFC000  }
0xa2: {  	_ =	sfence.sel $0x180000  }
0xa3: {  	[bflag:$0x0] =	sbarrier.arrive $0xFFFF  }
0xa4: {  	_ =	strace $0x90000047  }
0xa5: {  	s0 =	stileid.u32;
	[bflag:$0x2] =	sbarrier.arrive $0xFFFF  }
0xa6: {  	p0 =	sne.s32 s0, $0x0;
	s0 =	rddreg [dreg:$0x3]  }
0xa7: {  	s0 =	sadd.s32 @!p0 $0x100000, s0  }
0xa8: {  	[sflag:s0] =	ssyncadd.tile.s32 @!p0 $0x1;
	_ =	shalt  }
.Lfunc_end2:
_tile_overlayer_lowered:
.L_overlay_start_2:
0xa9: {  	(tag) =	ssettag $0x2  }
0xaa: {  	s0 =	rddreg [dreg:$0x0];
	s2 =	stileid.u32  }
0xab: {  	s1 =	rddreg [dreg:$0x1];
	p0 =	sne.s32 s2, $0x0  }
0xac: {  	s3 =	rddreg [dreg:$0x2];
	[bflag:$0x3] =	sbarrier.arrive $0xFFFF;
	s2 =	simm.s32 @!p0 $0x1C0B  }
0xad: {  	[timem:s3], [sflag:s2] =	dma.local @!p0 [hbm:s0], s1  }
0xae: {  	s0 =	simm.s32 @!p0 $0xB  }
0xaf: {  	_ =	swait.ge @!p0 [sflag:s0], s1  }
0xb0: {  	s1 =	ssub.s32 @!p0 $0x0, s1;
	[sflag:s0] =	ssyncset.done @!p0 $0x0  }
0xb1: {  	[sflag:s0] =	ssyncadd.s32 @!p0 s1  }
0xb2: {  	[bflag:$0x3] =	sbarrier.arrive $0xFFFF  }
0xb3: {  	_ =	shalt  }

</sc_bundles>
